<compile_context>
chip_gen: v7x
topology: tpu7x:2x2x1
jax: 0.10.2.dev20260603
libtpu: 0.0.44.dev20260713+nightly
codegen_flags: <defaults>
</compile_context>

<pallas_src>
import functools
import math

import jax
import jax.numpy as jnp
from jax import lax
from jax.experimental import pallas as pl
from jax.experimental.pallas import tpu as pltpu
from jax.experimental.pallas import tpu_sc as plsc

N = 10000
E = 320000
IN_CH = 128
HID = 64
OUT_CH = 128
L_LAYERS = 64
ALPHA = 0.5
THETA = 1.0

NC = 2
NS = 16
CH = 128
G = 2
NCHUNK = 84
QC = NCHUNK // G
EPT = NCHUNK * CH
NPAD = 10240
TRASH = N
ROWS_PT = NPAD // NS
ZB = ROWS_PT // CH



def _sc_agg_body(u_hbm, src_hbm, dst_hbm, out_hbm, src_v, dst_v,
                 b0, b1, b2, agg_sh, s0, s1, s2):
    bufs = (b0, b1, b2)
    sems = (s0, s1, s2)
    cid = lax.axis_index("c")
    sid = lax.axis_index("s")
    pltpu.sync_copy(src_hbm.at[cid, sid], src_v)
    pltpu.sync_copy(dst_hbm.at[cid, sid], dst_v)

    pltpu.async_copy(u_hbm.at[src_v.at[0]], b0, s0)
    pltpu.async_copy(u_hbm.at[src_v.at[1]], b1, s1)

    def _zrow(r, carry):
        def _zcol(k, c2):
            b2[r, pl.ds(k * 16, 16)] = jnp.zeros((16,), jnp.float32)
            return c2
        return lax.fori_loop(0, HID // 16, _zcol, carry)
    lax.fori_loop(0, CH, _zrow, 0)
    base = sid * ROWS_PT

    def _zcopy(k, carry):
        pltpu.sync_copy(b2.at[pl.ds(0, CH)], agg_sh.at[pl.ds(base + k * CH, CH)])
        return carry
    lax.fori_loop(0, ZB, _zcopy, 0)
    plsc.subcore_barrier()

    def _triple(p, carry):
        for b in range(3):
            c = 3 * p + b
            pltpu.make_async_copy(u_hbm.at[src_v.at[c]], bufs[b], sems[b]).wait()

            @pl.when(c + 2 < QC)
            def _():
                nb = (b + 2) % 3
                pltpu.async_copy(u_hbm.at[src_v.at[c + 2]], bufs[nb], sems[nb])
            pltpu.sync_copy(bufs[b], agg_sh.at[dst_v.at[c]], add=True)
        return carry
    lax.fori_loop(0, QC // 3, _triple, 0)
    plsc.subcore_barrier()

    def _ocopy(k, carry):
        sl = pl.ds(base + k * CH, CH)
        pltpu.sync_copy(agg_sh.at[sl], out_hbm.at[cid, sl])
        return carry
    lax.fori_loop(0, ZB, _ocopy, 0)


@jax.jit
def _sc_agg(u, src_idx, dst_idx):
    return pl.kernel(
        _sc_agg_body,
        out_type=jax.ShapeDtypeStruct((NC, NPAD, HID), jnp.float32),
        mesh=plsc.VectorSubcoreMesh(core_axis_name="c", subcore_axis_name="s"),
        scratch_types=[
            pltpu.VMEM((QC, G * CH), jnp.int32),
            pltpu.VMEM((QC, G * CH), jnp.int32),
            pltpu.VMEM((G * CH, HID), jnp.float32),
            pltpu.VMEM((G * CH, HID), jnp.float32),
            pltpu.VMEM((G * CH, HID), jnp.float32),
            pltpu.VMEM_SHARED((NPAD, HID), jnp.float32),
            pltpu.SemaphoreType.DMA,
            pltpu.SemaphoreType.DMA,
            pltpu.SemaphoreType.DMA,
        ],
        compiler_params=pltpu.CompilerParams(use_tc_tiling_on_sc=False),
    )(u, src_idx, dst_idx)



def _lin1_body(x_ref, w1_ref, b1_ref, pdeg_ref, h0_ref, u0_ref, dinv_ref):
    deg = pdeg_ref[0, :, 0:1] + pdeg_ref[1, :, 0:1]
    dinv = jnp.where(deg > 0, lax.rsqrt(deg), 0.0)
    h0 = jnp.maximum(
        jnp.dot(x_ref[...], w1_ref[...], preferred_element_type=jnp.float32)
        + b1_ref[...], 0.0)
    h0_ref[...] = h0
    u0_ref[...] = dinv * h0
    dinv_ref[...] = dinv


def _tc_layer_body(p_ref, h0_ref, dinv_ref, wp_ref, u_ref, h_ref):
    dinv = dinv_ref[...]
    p = p_ref[0] + p_ref[1]
    t = (1.0 - ALPHA) * (dinv * p) + ALPHA * h0_ref[...]
    h = jnp.maximum(
        jnp.dot(t, wp_ref[...], preferred_element_type=jnp.float32), 0.0)
    h_ref[...] = h
    u_ref[...] = dinv * h


def _final_body(h_ref, w2_ref, b2_ref, o_ref):
    z = (jnp.dot(h_ref[...], w2_ref[...], preferred_element_type=jnp.float32)
         + b2_ref[...])
    m = jnp.max(z, axis=1, keepdims=True)
    lse = jnp.log(jnp.sum(jnp.exp(z - m), axis=1, keepdims=True)) + m
    o_ref[...] = z - lse


_RB = 2048


@jax.jit
def _lin1(xp, w1, b1, pdeg):
    grid = (NPAD // _RB,)
    return pl.pallas_call(
        _lin1_body,
        grid=grid,
        in_specs=[
            pl.BlockSpec((_RB, IN_CH), lambda i: (i, 0)),
            pl.BlockSpec((IN_CH, HID), lambda i: (0, 0)),
            pl.BlockSpec((1, HID), lambda i: (0, 0)),
            pl.BlockSpec((NC, _RB, HID), lambda i: (0, i, 0)),
        ],
        out_specs=[
            pl.BlockSpec((_RB, HID), lambda i: (i, 0)),
            pl.BlockSpec((_RB, HID), lambda i: (i, 0)),
            pl.BlockSpec((_RB, 1), lambda i: (i, 0)),
        ],
        out_shape=[
            jax.ShapeDtypeStruct((NPAD, HID), jnp.float32),
            jax.ShapeDtypeStruct((NPAD, HID), jnp.float32),
            jax.ShapeDtypeStruct((NPAD, 1), jnp.float32),
        ],
    )(xp, w1, b1, pdeg)


@jax.jit
def _tc_layer(part, h0, dinv, wp):
    grid = (NPAD // _RB,)
    return pl.pallas_call(
        _tc_layer_body,
        grid=grid,
        in_specs=[
            pl.BlockSpec((NC, _RB, HID), lambda i: (0, i, 0)),
            pl.BlockSpec((_RB, HID), lambda i: (i, 0)),
            pl.BlockSpec((_RB, 1), lambda i: (i, 0)),
            pl.BlockSpec((HID, HID), lambda i: (0, 0)),
        ],
        out_specs=[
            pl.BlockSpec((_RB, HID), lambda i: (i, 0)),
            pl.BlockSpec((_RB, HID), lambda i: (i, 0)),
        ],
        out_shape=[
            jax.ShapeDtypeStruct((NPAD, HID), jnp.float32),
            jax.ShapeDtypeStruct((NPAD, HID), jnp.float32),
        ],
    )(part, h0, dinv, wp)


_FB = 2000


@jax.jit
def _final(h, w2, b2):
    grid = (N // _FB,)
    return pl.pallas_call(
        _final_body,
        grid=grid,
        in_specs=[
            pl.BlockSpec((_FB, HID), lambda i: (i, 0)),
            pl.BlockSpec((HID, OUT_CH), lambda i: (0, 0)),
            pl.BlockSpec((1, OUT_CH), lambda i: (0, 0)),
        ],
        out_specs=pl.BlockSpec((_FB, OUT_CH), lambda i: (i, 0)),
        out_shape=jax.ShapeDtypeStruct((N, OUT_CH), jnp.float32),
    )(h, w2, b2)



def kernel(x, edge_index, lin1_w, lin1_b, conv_w, lin2_w, lin2_b):
    ei = edge_index.astype(jnp.int32)
    loops = jnp.arange(N, dtype=jnp.int32)
    src = jnp.concatenate([ei[0], loops])
    dst = jnp.concatenate([ei[1], loops])
    total = NC * NS * EPT
    padlen = total - src.shape[0]
    pad_ar = jnp.arange(padlen, dtype=jnp.int32)
    src = jnp.concatenate([src, pad_ar % N])
    dst = jnp.concatenate([dst, TRASH + pad_ar % (NPAD - N)])
    src_idx = src.reshape(NC, NS, QC, G * CH)
    dst_idx = dst.reshape(NC, NS, QC, G * CH)

    beta = jnp.log(THETA / (jnp.arange(1, L_LAYERS + 1, dtype=jnp.float32)) + 1.0)
    wp_all = (beta[:, None, None] * conv_w
              + (1.0 - beta)[:, None, None] * jnp.eye(HID, dtype=jnp.float32))

    xp = jnp.pad(x, ((0, NPAD - N), (0, 0)))
    ones_u = jnp.ones((NPAD, HID), jnp.float32)
    pdeg = _sc_agg(ones_u, src_idx, dst_idx)
    h0, u0, dinv = _lin1(xp, lin1_w, lin1_b.reshape(1, HID), pdeg)

    def body(i, carry):
        u, _h = carry
        part = _sc_agg(u, src_idx, dst_idx)
        wp = lax.dynamic_index_in_dim(wp_all, i, keepdims=False)
        u, h = _tc_layer(part, h0, dinv, wp)
        return (u, h)

    _u, h = lax.fori_loop(0, L_LAYERS, body, (u0, h0))
    return _final(h, lin2_w, lin2_b.reshape(1, OUT_CH))

# --- scband reference (transcript-rebuilt; emitter-appended) ---
"""Pipeline reference for scband-gcniinet-62423054680288 (READ-ONLY COPY).

The authoritative reference and input builder live on the scoring server;
editing this copy changes nothing except your own understanding.
"""

import jax, jax.numpy as jnp
import numpy as np
import math

N = 10000
E = 320000
IN_CH = 128
HID = 64
OUT_CH = 128
L = 64
ALPHA = 0.5
THETA = 1.0


def setup_inputs(seed: int = 0) -> dict:
    key = jax.random.key(seed)
    ks = jax.random.split(key, 8)
    x = jax.random.normal(ks[0], (N, IN_CH), dtype=jnp.float32)
    edge_index = jax.random.randint(ks[1], (2, E), 0, N)
    lin1_w = jax.random.normal(ks[2], (IN_CH, HID), dtype=jnp.float32) * (1.0 / math.sqrt(IN_CH))
    lin1_b = jnp.zeros((HID,), dtype=jnp.float32)
    conv_w = jax.random.normal(ks[3], (L, HID, HID), dtype=jnp.float32) * (1.0 / math.sqrt(HID))
    lin2_w = jax.random.normal(ks[4], (HID, OUT_CH), dtype=jnp.float32) * (1.0 / math.sqrt(HID))
    lin2_b = jnp.zeros((OUT_CH,), dtype=jnp.float32)
    return {"x": x, "edge_index": edge_index, "lin1_w": lin1_w, "lin1_b": lin1_b,
            "conv_w": conv_w, "lin2_w": lin2_w, "lin2_b": lin2_b}


def reference(x, edge_index, lin1_w, lin1_b, conv_w, lin2_w, lin2_b):
    # GCN normalization with self-loops: A_hat = D^-1/2 (A + I) D^-1/2
    loops = jnp.arange(N, dtype=edge_index.dtype)
    src = jnp.concatenate([edge_index[0], loops])
    dst = jnp.concatenate([edge_index[1], loops])
    ones = jnp.ones(src.shape[0], dtype=jnp.float32)
    deg = jax.ops.segment_sum(ones, dst, num_segments=N)
    dinv = jnp.where(deg > 0, jax.lax.rsqrt(deg), 0.0)
    norm = dinv[src] * dinv[dst]

    # dropout is identity in eval mode
    h = jax.nn.relu(x @ lin1_w + lin1_b)
    h0 = h
    for i in range(L):
        # propagate: A_hat @ h  (gather + weighted scatter-add)
        agg = jax.ops.segment_sum(h[src] * norm[:, None], dst, num_segments=N)
        t = agg * (1.0 - ALPHA) + ALPHA * h0
        beta = math.log(THETA / (i + 1) + 1.0)
        # shared-weights GCN2Conv: out = (1-beta)*t + beta*(t @ W_i)
        h = jax.nn.relu((1.0 - beta) * t + beta * (t @ conv_w[i]))
    out = h @ lin2_w + lin2_b
    return jax.nn.log_softmax(out, axis=1)

if __name__ == "__main__":
    import jax
    _d = setup_inputs()
    print(jax.jit(kernel)(*tuple(_d.values())))

</pallas_src>

<mosaic_0001>
#map = affine_map<(d0, d1) -> (0, 0)>
#map1 = affine_map<(d0, d1) -> (0, 0, 0, 0)>
#map2 = affine_map<(d0, d1) -> (0, 0, 0)>
module attributes {stable_mosaic.version = 14 : i64} {
  func.func @_sc_agg_body(%arg0: i32, %arg1: i32, %arg2: memref<10240x64xf32, #tpu.memory_space<hbm>>, %arg3: memref<2x16x42x256xi32, #tpu.memory_space<hbm>>, %arg4: memref<2x16x42x256xi32, #tpu.memory_space<hbm>>, %arg5: memref<2x10240x64xf32, #tpu.memory_space<hbm>>, %arg6: memref<42x256xi32, #tpu.memory_space<vmem>>, %arg7: memref<42x256xi32, #tpu.memory_space<vmem>>, %arg8: memref<256x64xf32, #tpu.memory_space<vmem>>, %arg9: memref<256x64xf32, #tpu.memory_space<vmem>>, %arg10: memref<256x64xf32, #tpu.memory_space<vmem>>, %arg11: memref<10240x64xf32, #tpu.memory_space<vmem_shared>>, %arg12: memref<!tpu.dma_semaphore, #tpu.memory_space<semaphore_mem>>, %arg13: memref<!tpu.dma_semaphore, #tpu.memory_space<semaphore_mem>>, %arg14: memref<!tpu.dma_semaphore, #tpu.memory_space<semaphore_mem>>) attributes {dimension_semantics = [#tpu.dimension_semantics<core_parallel>, #tpu.dimension_semantics<subcore_parallel>], iteration_bounds = array<i64: 2, 16>, scalar_prefetch = 0 : i64, scratch_operands = 9 : i64, tpu.core_type = #tpu.core_type<sc_vector_subcore>, window_params = [{transform_indices = #map}, {transform_indices = #map1}, {transform_indices = #map1}, {transform_indices = #map2}]} {
    "tpu.region"() ({
      %run_scoped3A = tpu.sem_alloc : memref<!tpu.dma_semaphore, #tpu.memory_space<semaphore_mem>>
      %dma_start3A_38 = arith.constant 0 : i32
      %dma_start3A_39 = arith.constant 0 : i32
      %dma_start3A_40 = tpu.memref_slice %arg3[%arg0, %arg1, %dma_start3A_38, %dma_start3A_39] : memref<2x16x42x256xi32, #tpu.memory_space<hbm>> -> memref<1x1x42x256xi32, #tpu.memory_space<hbm>>
      %dma_start3A_41 = tpu.memref_squeeze %dma_start3A_40 : memref<1x1x42x256xi32, #tpu.memory_space<hbm>> -> memref<42x256xi32, #tpu.memory_space<hbm>>
      %dma_start3A_42 = arith.constant 0 : i32
      %dma_start3A_43 = arith.constant 0 : i32
      %dma_start3A_44 = tpu.memref_slice %arg3[%arg0, %arg1, %dma_start3A_42, %dma_start3A_43] : memref<2x16x42x256xi32, #tpu.memory_space<hbm>> -> memref<1x1x42x256xi32, #tpu.memory_space<hbm>>
      %dma_start3A_45 = tpu.memref_squeeze %dma_start3A_44 : memref<1x1x42x256xi32, #tpu.memory_space<hbm>> -> memref<42x256xi32, #tpu.memory_space<hbm>>
      tpu.enqueue_dma source(%dma_start3A_45 : memref<42x256xi32, #tpu.memory_space<hbm>>) target(%arg6 : memref<42x256xi32, #tpu.memory_space<vmem>>) target_semaphore(%run_scoped3A : memref<!tpu.dma_semaphore, #tpu.memory_space<semaphore_mem>>)
      %dma_wait3A = arith.constant 0 : i32
      %dma_wait3A_46 = arith.constant 0 : i32
      %dma_wait3A_47 = tpu.memref_slice %arg3[%arg0, %arg1, %dma_wait3A, %dma_wait3A_46] : memref<2x16x42x256xi32, #tpu.memory_space<hbm>> -> memref<1x1x42x256xi32, #tpu.memory_space<hbm>>
      %dma_wait3A_48 = tpu.memref_squeeze %dma_wait3A_47 : memref<1x1x42x256xi32, #tpu.memory_space<hbm>> -> memref<42x256xi32, #tpu.memory_space<hbm>>
      %dma_wait3A_49 = arith.constant 0 : i32
      %dma_wait3A_50 = arith.constant 0 : i32
      %dma_wait3A_51 = tpu.memref_slice %arg3[%arg0, %arg1, %dma_wait3A_49, %dma_wait3A_50] : memref<2x16x42x256xi32, #tpu.memory_space<hbm>> -> memref<1x1x42x256xi32, #tpu.memory_space<hbm>>
      %dma_wait3A_52 = tpu.memref_squeeze %dma_wait3A_51 : memref<1x1x42x256xi32, #tpu.memory_space<hbm>> -> memref<42x256xi32, #tpu.memory_space<hbm>>
      tpu.wait_dma2 semaphore(%run_scoped3A : memref<!tpu.dma_semaphore, #tpu.memory_space<semaphore_mem>>) src(%dma_wait3A_52 : memref<42x256xi32, #tpu.memory_space<hbm>>) dst(%arg6 : memref<42x256xi32, #tpu.memory_space<vmem>>)
      tpu.yield
    }) : () -> ()
    "tpu.region"() ({
      %run_scoped3A = tpu.sem_alloc : memref<!tpu.dma_semaphore, #tpu.memory_space<semaphore_mem>>
      %dma_start3A_38 = arith.constant 0 : i32
      %dma_start3A_39 = arith.constant 0 : i32
      %dma_start3A_40 = tpu.memref_slice %arg4[%arg0, %arg1, %dma_start3A_38, %dma_start3A_39] : memref<2x16x42x256xi32, #tpu.memory_space<hbm>> -> memref<1x1x42x256xi32, #tpu.memory_space<hbm>>
      %dma_start3A_41 = tpu.memref_squeeze %dma_start3A_40 : memref<1x1x42x256xi32, #tpu.memory_space<hbm>> -> memref<42x256xi32, #tpu.memory_space<hbm>>
      %dma_start3A_42 = arith.constant 0 : i32
      %dma_start3A_43 = arith.constant 0 : i32
      %dma_start3A_44 = tpu.memref_slice %arg4[%arg0, %arg1, %dma_start3A_42, %dma_start3A_43] : memref<2x16x42x256xi32, #tpu.memory_space<hbm>> -> memref<1x1x42x256xi32, #tpu.memory_space<hbm>>
      %dma_start3A_45 = tpu.memref_squeeze %dma_start3A_44 : memref<1x1x42x256xi32, #tpu.memory_space<hbm>> -> memref<42x256xi32, #tpu.memory_space<hbm>>
      tpu.enqueue_dma source(%dma_start3A_45 : memref<42x256xi32, #tpu.memory_space<hbm>>) target(%arg7 : memref<42x256xi32, #tpu.memory_space<vmem>>) target_semaphore(%run_scoped3A : memref<!tpu.dma_semaphore, #tpu.memory_space<semaphore_mem>>)
      %dma_wait3A = arith.constant 0 : i32
      %dma_wait3A_46 = arith.constant 0 : i32
      %dma_wait3A_47 = tpu.memref_slice %arg4[%arg0, %arg1, %dma_wait3A, %dma_wait3A_46] : memref<2x16x42x256xi32, #tpu.memory_space<hbm>> -> memref<1x1x42x256xi32, #tpu.memory_space<hbm>>
      %dma_wait3A_48 = tpu.memref_squeeze %dma_wait3A_47 : memref<1x1x42x256xi32, #tpu.memory_space<hbm>> -> memref<42x256xi32, #tpu.memory_space<hbm>>
      %dma_wait3A_49 = arith.constant 0 : i32
      %dma_wait3A_50 = arith.constant 0 : i32
      %dma_wait3A_51 = tpu.memref_slice %arg4[%arg0, %arg1, %dma_wait3A_49, %dma_wait3A_50] : memref<2x16x42x256xi32, #tpu.memory_space<hbm>> -> memref<1x1x42x256xi32, #tpu.memory_space<hbm>>
      %dma_wait3A_52 = tpu.memref_squeeze %dma_wait3A_51 : memref<1x1x42x256xi32, #tpu.memory_space<hbm>> -> memref<42x256xi32, #tpu.memory_space<hbm>>
      tpu.wait_dma2 semaphore(%run_scoped3A : memref<!tpu.dma_semaphore, #tpu.memory_space<semaphore_mem>>) src(%dma_wait3A_52 : memref<42x256xi32, #tpu.memory_space<hbm>>) dst(%arg7 : memref<42x256xi32, #tpu.memory_space<vmem>>)
      tpu.yield
    }) : () -> ()
    %dma_start3A = arith.constant 0 : i32
    %dma_start3A_0 = arith.constant 0 : i32
    %dma_start3A_1 = tpu.memref_slice %arg6[%dma_start3A, %dma_start3A_0] : memref<42x256xi32, #tpu.memory_space<vmem>> -> memref<1x256xi32, #tpu.memory_space<vmem>>
    %dma_start3A_2 = tpu.memref_squeeze %dma_start3A_1 : memref<1x256xi32, #tpu.memory_space<vmem>> -> memref<256xi32, #tpu.memory_space<vmem>>
    %dma_start3A_3 = arith.constant 0 : i32
    %dma_start3A_4 = arith.constant 0 : i32
    %dma_start3A_5 = tpu.memref_slice %arg2[%dma_start3A_3, %dma_start3A_4] : memref<10240x64xf32, #tpu.memory_space<hbm>> -> memref<10240x64xf32, #tpu.memory_space<hbm>>
    tpu.enqueue_indirect_dma source(%dma_start3A_5 : memref<10240x64xf32, #tpu.memory_space<hbm>>) target(%arg8 : memref<256x64xf32, #tpu.memory_space<vmem>>) offsets(%dma_start3A_2 : memref<256xi32, #tpu.memory_space<vmem>>) semaphore(%arg12 : memref<!tpu.dma_semaphore, #tpu.memory_space<semaphore_mem>>)
    %dma_start3A_6 = arith.constant 1 : i32
    %dma_start3A_7 = arith.constant 0 : i32
    %dma_start3A_8 = tpu.memref_slice %arg6[%dma_start3A_6, %dma_start3A_7] : memref<42x256xi32, #tpu.memory_space<vmem>> -> memref<1x256xi32, #tpu.memory_space<vmem>>
    %dma_start3A_9 = tpu.memref_squeeze %dma_start3A_8 : memref<1x256xi32, #tpu.memory_space<vmem>> -> memref<256xi32, #tpu.memory_space<vmem>>
    %dma_start3A_10 = arith.constant 0 : i32
    %dma_start3A_11 = arith.constant 0 : i32
    %dma_start3A_12 = tpu.memref_slice %arg2[%dma_start3A_10, %dma_start3A_11] : memref<10240x64xf32, #tpu.memory_space<hbm>> -> memref<10240x64xf32, #tpu.memory_space<hbm>>
    tpu.enqueue_indirect_dma source(%dma_start3A_12 : memref<10240x64xf32, #tpu.memory_space<hbm>>) target(%arg9 : memref<256x64xf32, #tpu.memory_space<vmem>>) offsets(%dma_start3A_9 : memref<256xi32, #tpu.memory_space<vmem>>) semaphore(%arg13 : memref<!tpu.dma_semaphore, #tpu.memory_space<semaphore_mem>>)
    %scan3A = arith.constant 0 : i32
    %scan3A_13 = arith.constant 0 : i32
    %scan3A_14 = arith.constant 128 : i32
    %scan3A_15 = arith.addi %scan3A_13, %scan3A_14 : i32
    %scan3A_16 = arith.constant 1 : i32
    scf.for %scan3A_38 = %scan3A_13 to %scan3A_15 step %scan3A_16  : i32 {
      %scan3A_39 = arith.constant 0 : i32
      %scan3A_40 = arith.constant 4 : i32
      %scan3A_41 = arith.addi %scan3A_39, %scan3A_40 : i32
      %scan3A_42 = arith.constant 1 : i32
      scf.for %scan3A_44 = %scan3A_39 to %scan3A_41 step %scan3A_42  : i32 {
        %broadcast_in_dim3A = arith.constant 0.000000e+00 : f32
        %broadcast_in_dim3A_45 = vector.broadcast %broadcast_in_dim3A : f32 to vector<16xf32>
        %mul3A_46 = arith.constant 16 : i32
        %mul3A_47 = arith.muli %scan3A_44, %mul3A_46 : i32
        %swap3A = arith.index_cast %scan3A_38 : i32 to index
        %swap3A_48 = arith.index_cast %mul3A_47 : i32 to index
        %swap3A_49 = tpu.vector_load %arg10[%swap3A, %swap3A_48] {strides = array<i32>} : memref<256x64xf32, #tpu.memory_space<vmem>>, vector<1x16xf32>,
        %swap3A_50 = vector.shape_cast %swap3A_49 : vector<1x16xf32> to vector<16xf32>
        %swap3A_51 = vector.shape_cast %broadcast_in_dim3A_45 : vector<16xf32> to vector<1x16xf32>
        tpu.vector_store %arg10[%swap3A, %swap3A_48], %swap3A_51 {strides = array<i32>} : memref<256x64xf32, #tpu.memory_space<vmem>>, vector<1x16xf32>,
      }
      %scan3A_43 = arith.constant 4 : i32
    }
    %scan3A_17 = arith.constant 128 : i32
    %mul3A = arith.constant 640 : i32
    %mul3A_18 = arith.muli %arg1, %mul3A : i32
    %scan3A_19 = arith.constant 0 : i32
    %scan3A_20 = arith.constant 0 : i32
    %scan3A_21 = arith.constant 5 : i32
    %scan3A_22 = arith.addi %scan3A_20, %scan3A_21 : i32
    %scan3A_23 = arith.constant 1 : i32
    scf.for %scan3A_38 = %scan3A_20 to %scan3A_22 step %scan3A_23  : i32 {
      %mul3A_39 = arith.constant 128 : i32
      %mul3A_40 = arith.muli %scan3A_38, %mul3A_39 : i32
      %add3A = arith.addi %mul3A_18, %mul3A_40 : i32
      "tpu.region"() ({
        %run_scoped3A = tpu.sem_alloc : memref<!tpu.dma_semaphore, #tpu.memory_space<semaphore_mem>>
        %dma_start3A_41 = arith.constant 0 : i32
        %dma_start3A_42 = arith.constant 0 : i32
        %dma_start3A_43 = tpu.memref_slice %arg10[%dma_start3A_41, %dma_start3A_42] : memref<256x64xf32, #tpu.memory_space<vmem>> -> memref<128x64xf32, #tpu.memory_space<vmem>>
        %dma_start3A_44 = arith.constant 0 : i32
        %dma_start3A_45 = tpu.memref_slice %arg11[%add3A, %dma_start3A_44] : memref<10240x64xf32, #tpu.memory_space<vmem_shared>> -> memref<128x64xf32, #tpu.memory_space<vmem_shared>>
        %dma_start3A_46 = arith.constant 0 : i32
        %dma_start3A_47 = tpu.memref_slice %arg11[%add3A, %dma_start3A_46] : memref<10240x64xf32, #tpu.memory_space<vmem_shared>> -> memref<128x64xf32, #tpu.memory_space<vmem_shared>>
        %dma_start3A_48 = arith.constant 0 : i32
        %dma_start3A_49 = arith.constant 0 : i32
        %dma_start3A_50 = tpu.memref_slice %arg10[%dma_start3A_48, %dma_start3A_49] : memref<256x64xf32, #tpu.memory_space<vmem>> -> memref<128x64xf32, #tpu.memory_space<vmem>>
        tpu.enqueue_dma source(%dma_start3A_50 : memref<128x64xf32, #tpu.memory_space<vmem>>) target(%dma_start3A_47 : memref<128x64xf32, #tpu.memory_space<vmem_shared>>) target_semaphore(%run_scoped3A : memref<!tpu.dma_semaphore, #tpu.memory_space<semaphore_mem>>)
        %dma_wait3A = arith.constant 0 : i32
        %dma_wait3A_51 = arith.constant 0 : i32
        %dma_wait3A_52 = tpu.memref_slice %arg10[%dma_wait3A, %dma_wait3A_51] : memref<256x64xf32, #tpu.memory_space<vmem>> -> memref<128x64xf32, #tpu.memory_space<vmem>>
        %dma_wait3A_53 = arith.constant 0 : i32
        %dma_wait3A_54 = tpu.memref_slice %arg11[%add3A, %dma_wait3A_53] : memref<10240x64xf32, #tpu.memory_space<vmem_shared>> -> memref<128x64xf32, #tpu.memory_space<vmem_shared>>
        %dma_wait3A_55 = arith.constant 0 : i32
        %dma_wait3A_56 = tpu.memref_slice %arg11[%add3A, %dma_wait3A_55] : memref<10240x64xf32, #tpu.memory_space<vmem_shared>> -> memref<128x64xf32, #tpu.memory_space<vmem_shared>>
        %dma_wait3A_57 = arith.constant 0 : i32
        %dma_wait3A_58 = arith.constant 0 : i32
        %dma_wait3A_59 = tpu.memref_slice %arg10[%dma_wait3A_57, %dma_wait3A_58] : memref<256x64xf32, #tpu.memory_space<vmem>> -> memref<128x64xf32, #tpu.memory_space<vmem>>
        tpu.wait_dma2 semaphore(%run_scoped3A : memref<!tpu.dma_semaphore, #tpu.memory_space<semaphore_mem>>) src(%dma_wait3A_59 : memref<128x64xf32, #tpu.memory_space<vmem>>) dst(%dma_wait3A_56 : memref<128x64xf32, #tpu.memory_space<vmem_shared>>)
        tpu.yield
      }) : () -> ()
    }
    %scan3A_24 = arith.constant 5 : i32
    %barrier3A = arith.constant 0 : index
    tpu.barrier barrier_id(%barrier3A)
    %scan3A_25 = arith.constant 0 : i32
    %scan3A_26 = arith.constant 0 : i32
    %scan3A_27 = arith.constant 14 : i32
    %scan3A_28 = arith.addi %scan3A_26, %scan3A_27 : i32
    %scan3A_29 = arith.constant 1 : i32
    scf.for %scan3A_38 = %scan3A_26 to %scan3A_28 step %scan3A_29  : i32 {
      %mul3A_39 = arith.constant 3 : i32
      %mul3A_40 = arith.muli %mul3A_39, %scan3A_38 : i32
      %add3A = arith.constant 0 : i32
      %add3A_41 = arith.addi %mul3A_40, %add3A : i32
      %dma_wait3A = arith.constant 0 : i32
      %dma_wait3A_42 = tpu.memref_slice %arg6[%add3A_41, %dma_wait3A] : memref<42x256xi32, #tpu.memory_space<vmem>> -> memref<1x256xi32, #tpu.memory_space<vmem>>
      %dma_wait3A_43 = tpu.memref_squeeze %dma_wait3A_42 : memref<1x256xi32, #tpu.memory_space<vmem>> -> memref<256xi32, #tpu.memory_space<vmem>>
      %dma_wait3A_44 = arith.constant 0 : i32
      %dma_wait3A_45 = arith.constant 0 : i32
      %dma_wait3A_46 = tpu.memref_slice %arg2[%dma_wait3A_44, %dma_wait3A_45] : memref<10240x64xf32, #tpu.memory_space<hbm>> -> memref<10240x64xf32, #tpu.memory_space<hbm>>
      tpu.wait_indirect_dma semaphore(%arg12 : memref<!tpu.dma_semaphore, #tpu.memory_space<semaphore_mem>>) src(%dma_wait3A_46 : memref<10240x64xf32, #tpu.memory_space<hbm>>) dst(%arg8 : memref<256x64xf32, #tpu.memory_space<vmem>>)
      %add3A_47 = arith.constant 2 : i32
      %add3A_48 = arith.addi %add3A_41, %add3A_47 : i32
      %lt3A = arith.constant 42 : i32
      %lt3A_49 = arith.cmpi slt, %add3A_48, %lt3A : i32
      %convert_element_type3A = arith.extui %lt3A_49 : i1 to i32
      %cond3A = arith.constant 0 : i32
      %cond3A_50 = arith.cmpi ne, %convert_element_type3A, %cond3A : i32
      scf.if %cond3A_50 {
        %add3A_85 = arith.constant 2 : i32
        %add3A_86 = arith.addi %add3A_41, %add3A_85 : i32
        %dma_start3A_87 = arith.constant 0 : i32
        %dma_start3A_88 = tpu.memref_slice %arg6[%add3A_86, %dma_start3A_87] : memref<42x256xi32, #tpu.memory_space<vmem>> -> memref<1x256xi32, #tpu.memory_space<vmem>>
        %dma_start3A_89 = tpu.memref_squeeze %dma_start3A_88 : memref<1x256xi32, #tpu.memory_space<vmem>> -> memref<256xi32, #tpu.memory_space<vmem>>
        %dma_start3A_90 = arith.constant 0 : i32
        %dma_start3A_91 = arith.constant 0 : i32
        %dma_start3A_92 = tpu.memref_slice %arg2[%dma_start3A_90, %dma_start3A_91] : memref<10240x64xf32, #tpu.memory_space<hbm>> -> memref<10240x64xf32, #tpu.memory_space<hbm>>
        tpu.enqueue_indirect_dma source(%dma_start3A_92 : memref<10240x64xf32, #tpu.memory_space<hbm>>) target(%arg10 : memref<256x64xf32, #tpu.memory_space<vmem>>) offsets(%dma_start3A_89 : memref<256xi32, #tpu.memory_space<vmem>>) semaphore(%arg14 : memref<!tpu.dma_semaphore, #tpu.memory_space<semaphore_mem>>)
      } else {
      }
      "tpu.region"() ({
        %run_scoped3A = tpu.sem_alloc : memref<!tpu.dma_semaphore, #tpu.memory_space<semaphore_mem>>
        %dma_start3A_85 = arith.constant 0 : i32
        %dma_start3A_86 = tpu.memref_slice %arg7[%add3A_41, %dma_start3A_85] : memref<42x256xi32, #tpu.memory_space<vmem>> -> memref<1x256xi32, #tpu.memory_space<vmem>>
        %dma_start3A_87 = tpu.memref_squeeze %dma_start3A_86 : memref<1x256xi32, #tpu.memory_space<vmem>> -> memref<256xi32, #tpu.memory_space<vmem>>
        %dma_start3A_88 = arith.constant 0 : i32
        %dma_start3A_89 = arith.constant 0 : i32
        %dma_start3A_90 = tpu.memref_slice %arg11[%dma_start3A_88, %dma_start3A_89] : memref<10240x64xf32, #tpu.memory_space<vmem_shared>> -> memref<10240x64xf32, #tpu.memory_space<vmem_shared>>
        tpu.enqueue_indirect_dma source(%arg8 : memref<256x64xf32, #tpu.memory_space<vmem>>) target(%dma_start3A_90 : memref<10240x64xf32, #tpu.memory_space<vmem_shared>>) offsets(%dma_start3A_87 : memref<256xi32, #tpu.memory_space<vmem>>) semaphore(%run_scoped3A : memref<!tpu.dma_semaphore, #tpu.memory_space<semaphore_mem>>) {add = true}
        %dma_wait3A_91 = arith.constant 0 : i32
        %dma_wait3A_92 = tpu.memref_slice %arg7[%add3A_41, %dma_wait3A_91] : memref<42x256xi32, #tpu.memory_space<vmem>> -> memref<1x256xi32, #tpu.memory_space<vmem>>
        %dma_wait3A_93 = tpu.memref_squeeze %dma_wait3A_92 : memref<1x256xi32, #tpu.memory_space<vmem>> -> memref<256xi32, #tpu.memory_space<vmem>>
        %dma_wait3A_94 = arith.constant 0 : i32
        %dma_wait3A_95 = arith.constant 0 : i32
        %dma_wait3A_96 = tpu.memref_slice %arg11[%dma_wait3A_94, %dma_wait3A_95] : memref<10240x64xf32, #tpu.memory_space<vmem_shared>> -> memref<10240x64xf32, #tpu.memory_space<vmem_shared>>
        tpu.wait_indirect_dma semaphore(%run_scoped3A : memref<!tpu.dma_semaphore, #tpu.memory_space<semaphore_mem>>) src(%arg8 : memref<256x64xf32, #tpu.memory_space<vmem>>) dst(%dma_wait3A_96 : memref<10240x64xf32, #tpu.memory_space<vmem_shared>>)
        tpu.yield
      }) : () -> ()
      %mul3A_51 = arith.constant 3 : i32
      %mul3A_52 = arith.muli %mul3A_51, %scan3A_38 : i32
      %add3A_53 = arith.constant 1 : i32
      %add3A_54 = arith.addi %mul3A_52, %add3A_53 : i32
      %dma_wait3A_55 = arith.constant 0 : i32
      %dma_wait3A_56 = tpu.memref_slice %arg6[%add3A_54, %dma_wait3A_55] : memref<42x256xi32, #tpu.memory_space<vmem>> -> memref<1x256xi32, #tpu.memory_space<vmem>>
      %dma_wait3A_57 = tpu.memref_squeeze %dma_wait3A_56 : memref<1x256xi32, #tpu.memory_space<vmem>> -> memref<256xi32, #tpu.memory_space<vmem>>
      %dma_wait3A_58 = arith.constant 0 : i32
      %dma_wait3A_59 = arith.constant 0 : i32
      %dma_wait3A_60 = tpu.memref_slice %arg2[%dma_wait3A_58, %dma_wait3A_59] : memref<10240x64xf32, #tpu.memory_space<hbm>> -> memref<10240x64xf32, #tpu.memory_space<hbm>>
      tpu.wait_indirect_dma semaphore(%arg13 : memref<!tpu.dma_semaphore, #tpu.memory_space<semaphore_mem>>) src(%dma_wait3A_60 : memref<10240x64xf32, #tpu.memory_space<hbm>>) dst(%arg9 : memref<256x64xf32, #tpu.memory_space<vmem>>)
      %add3A_61 = arith.constant 2 : i32
      %add3A_62 = arith.addi %add3A_54, %add3A_61 : i32
      %lt3A_63 = arith.constant 42 : i32
      %lt3A_64 = arith.cmpi slt, %add3A_62, %lt3A_63 : i32
      %convert_element_type3A_65 = arith.extui %lt3A_64 : i1 to i32
      %cond3A_66 = arith.constant 0 : i32
      %cond3A_67 = arith.cmpi ne, %convert_element_type3A_65, %cond3A_66 : i32
      scf.if %cond3A_67 {
        %add3A_85 = arith.constant 2 : i32
        %add3A_86 = arith.addi %add3A_54, %add3A_85 : i32
        %dma_start3A_87 = arith.constant 0 : i32
        %dma_start3A_88 = tpu.memref_slice %arg6[%add3A_86, %dma_start3A_87] : memref<42x256xi32, #tpu.memory_space<vmem>> -> memref<1x256xi32, #tpu.memory_space<vmem>>
        %dma_start3A_89 = tpu.memref_squeeze %dma_start3A_88 : memref<1x256xi32, #tpu.memory_space<vmem>> -> memref<256xi32, #tpu.memory_space<vmem>>
        %dma_start3A_90 = arith.constant 0 : i32
        %dma_start3A_91 = arith.constant 0 : i32
        %dma_start3A_92 = tpu.memref_slice %arg2[%dma_start3A_90, %dma_start3A_91] : memref<10240x64xf32, #tpu.memory_space<hbm>> -> memref<10240x64xf32, #tpu.memory_space<hbm>>
        tpu.enqueue_indirect_dma source(%dma_start3A_92 : memref<10240x64xf32, #tpu.memory_space<hbm>>) target(%arg8 : memref<256x64xf32, #tpu.memory_space<vmem>>) offsets(%dma_start3A_89 : memref<256xi32, #tpu.memory_space<vmem>>) semaphore(%arg12 : memref<!tpu.dma_semaphore, #tpu.memory_space<semaphore_mem>>)
      } else {
      }
      "tpu.region"() ({
        %run_scoped3A = tpu.sem_alloc : memref<!tpu.dma_semaphore, #tpu.memory_space<semaphore_mem>>
        %dma_start3A_85 = arith.constant 0 : i32
        %dma_start3A_86 = tpu.memref_slice %arg7[%add3A_54, %dma_start3A_85] : memref<42x256xi32, #tpu.memory_space<vmem>> -> memref<1x256xi32, #tpu.memory_space<vmem>>
        %dma_start3A_87 = tpu.memref_squeeze %dma_start3A_86 : memref<1x256xi32, #tpu.memory_space<vmem>> -> memref<256xi32, #tpu.memory_space<vmem>>
        %dma_start3A_88 = arith.constant 0 : i32
        %dma_start3A_89 = arith.constant 0 : i32
        %dma_start3A_90 = tpu.memref_slice %arg11[%dma_start3A_88, %dma_start3A_89] : memref<10240x64xf32, #tpu.memory_space<vmem_shared>> -> memref<10240x64xf32, #tpu.memory_space<vmem_shared>>
        tpu.enqueue_indirect_dma source(%arg9 : memref<256x64xf32, #tpu.memory_space<vmem>>) target(%dma_start3A_90 : memref<10240x64xf32, #tpu.memory_space<vmem_shared>>) offsets(%dma_start3A_87 : memref<256xi32, #tpu.memory_space<vmem>>) semaphore(%run_scoped3A : memref<!tpu.dma_semaphore, #tpu.memory_space<semaphore_mem>>) {add = true}
        %dma_wait3A_91 = arith.constant 0 : i32
        %dma_wait3A_92 = tpu.memref_slice %arg7[%add3A_54, %dma_wait3A_91] : memref<42x256xi32, #tpu.memory_space<vmem>> -> memref<1x256xi32, #tpu.memory_space<vmem>>
        %dma_wait3A_93 = tpu.memref_squeeze %dma_wait3A_92 : memref<1x256xi32, #tpu.memory_space<vmem>> -> memref<256xi32, #tpu.memory_space<vmem>>
        %dma_wait3A_94 = arith.constant 0 : i32
        %dma_wait3A_95 = arith.constant 0 : i32
        %dma_wait3A_96 = tpu.memref_slice %arg11[%dma_wait3A_94, %dma_wait3A_95] : memref<10240x64xf32, #tpu.memory_space<vmem_shared>> -> memref<10240x64xf32, #tpu.memory_space<vmem_shared>>
        tpu.wait_indirect_dma semaphore(%run_scoped3A : memref<!tpu.dma_semaphore, #tpu.memory_space<semaphore_mem>>) src(%arg9 : memref<256x64xf32, #tpu.memory_space<vmem>>) dst(%dma_wait3A_96 : memref<10240x64xf32, #tpu.memory_space<vmem_shared>>)
        tpu.yield
      }) : () -> ()
      %mul3A_68 = arith.constant 3 : i32
      %mul3A_69 = arith.muli %mul3A_68, %scan3A_38 : i32
      %add3A_70 = arith.constant 2 : i32
      %add3A_71 = arith.addi %mul3A_69, %add3A_70 : i32
      %dma_wait3A_72 = arith.constant 0 : i32
      %dma_wait3A_73 = tpu.memref_slice %arg6[%add3A_71, %dma_wait3A_72] : memref<42x256xi32, #tpu.memory_space<vmem>> -> memref<1x256xi32, #tpu.memory_space<vmem>>
      %dma_wait3A_74 = tpu.memref_squeeze %dma_wait3A_73 : memref<1x256xi32, #tpu.memory_space<vmem>> -> memref<256xi32, #tpu.memory_space<vmem>>
      %dma_wait3A_75 = arith.constant 0 : i32
      %dma_wait3A_76 = arith.constant 0 : i32
      %dma_wait3A_77 = tpu.memref_slice %arg2[%dma_wait3A_75, %dma_wait3A_76] : memref<10240x64xf32, #tpu.memory_space<hbm>> -> memref<10240x64xf32, #tpu.memory_space<hbm>>
      tpu.wait_indirect_dma semaphore(%arg14 : memref<!tpu.dma_semaphore, #tpu.memory_space<semaphore_mem>>) src(%dma_wait3A_77 : memref<10240x64xf32, #tpu.memory_space<hbm>>) dst(%arg10 : memref<256x64xf32, #tpu.memory_space<vmem>>)
      %add3A_78 = arith.constant 2 : i32
      %add3A_79 = arith.addi %add3A_71, %add3A_78 : i32
      %lt3A_80 = arith.constant 42 : i32
      %lt3A_81 = arith.cmpi slt, %add3A_79, %lt3A_80 : i32
      %convert_element_type3A_82 = arith.extui %lt3A_81 : i1 to i32
      %cond3A_83 = arith.constant 0 : i32
      %cond3A_84 = arith.cmpi ne, %convert_element_type3A_82, %cond3A_83 : i32
      scf.if %cond3A_84 {
        %add3A_85 = arith.constant 2 : i32
        %add3A_86 = arith.addi %add3A_71, %add3A_85 : i32
        %dma_start3A_87 = arith.constant 0 : i32
        %dma_start3A_88 = tpu.memref_slice %arg6[%add3A_86, %dma_start3A_87] : memref<42x256xi32, #tpu.memory_space<vmem>> -> memref<1x256xi32, #tpu.memory_space<vmem>>
        %dma_start3A_89 = tpu.memref_squeeze %dma_start3A_88 : memref<1x256xi32, #tpu.memory_space<vmem>> -> memref<256xi32, #tpu.memory_space<vmem>>
        %dma_start3A_90 = arith.constant 0 : i32
        %dma_start3A_91 = arith.constant 0 : i32
        %dma_start3A_92 = tpu.memref_slice %arg2[%dma_start3A_90, %dma_start3A_91] : memref<10240x64xf32, #tpu.memory_space<hbm>> -> memref<10240x64xf32, #tpu.memory_space<hbm>>
        tpu.enqueue_indirect_dma source(%dma_start3A_92 : memref<10240x64xf32, #tpu.memory_space<hbm>>) target(%arg9 : memref<256x64xf32, #tpu.memory_space<vmem>>) offsets(%dma_start3A_89 : memref<256xi32, #tpu.memory_space<vmem>>) semaphore(%arg13 : memref<!tpu.dma_semaphore, #tpu.memory_space<semaphore_mem>>)
      } else {
      }
      "tpu.region"() ({
        %run_scoped3A = tpu.sem_alloc : memref<!tpu.dma_semaphore, #tpu.memory_space<semaphore_mem>>
        %dma_start3A_85 = arith.constant 0 : i32
        %dma_start3A_86 = tpu.memref_slice %arg7[%add3A_71, %dma_start3A_85] : memref<42x256xi32, #tpu.memory_space<vmem>> -> memref<1x256xi32, #tpu.memory_space<vmem>>
        %dma_start3A_87 = tpu.memref_squeeze %dma_start3A_86 : memref<1x256xi32, #tpu.memory_space<vmem>> -> memref<256xi32, #tpu.memory_space<vmem>>
        %dma_start3A_88 = arith.constant 0 : i32
        %dma_start3A_89 = arith.constant 0 : i32
        %dma_start3A_90 = tpu.memref_slice %arg11[%dma_start3A_88, %dma_start3A_89] : memref<10240x64xf32, #tpu.memory_space<vmem_shared>> -> memref<10240x64xf32, #tpu.memory_space<vmem_shared>>
        tpu.enqueue_indirect_dma source(%arg10 : memref<256x64xf32, #tpu.memory_space<vmem>>) target(%dma_start3A_90 : memref<10240x64xf32, #tpu.memory_space<vmem_shared>>) offsets(%dma_start3A_87 : memref<256xi32, #tpu.memory_space<vmem>>) semaphore(%run_scoped3A : memref<!tpu.dma_semaphore, #tpu.memory_space<semaphore_mem>>) {add = true}
        %dma_wait3A_91 = arith.constant 0 : i32
        %dma_wait3A_92 = tpu.memref_slice %arg7[%add3A_71, %dma_wait3A_91] : memref<42x256xi32, #tpu.memory_space<vmem>> -> memref<1x256xi32, #tpu.memory_space<vmem>>
        %dma_wait3A_93 = tpu.memref_squeeze %dma_wait3A_92 : memref<1x256xi32, #tpu.memory_space<vmem>> -> memref<256xi32, #tpu.memory_space<vmem>>
        %dma_wait3A_94 = arith.constant 0 : i32
        %dma_wait3A_95 = arith.constant 0 : i32
        %dma_wait3A_96 = tpu.memref_slice %arg11[%dma_wait3A_94, %dma_wait3A_95] : memref<10240x64xf32, #tpu.memory_space<vmem_shared>> -> memref<10240x64xf32, #tpu.memory_space<vmem_shared>>
        tpu.wait_indirect_dma semaphore(%run_scoped3A : memref<!tpu.dma_semaphore, #tpu.memory_space<semaphore_mem>>) src(%arg10 : memref<256x64xf32, #tpu.memory_space<vmem>>) dst(%dma_wait3A_96 : memref<10240x64xf32, #tpu.memory_space<vmem_shared>>)
        tpu.yield
      }) : () -> ()
    }
    %scan3A_30 = arith.constant 14 : i32
    %barrier3A_31 = arith.constant 0 : index
    tpu.barrier barrier_id(%barrier3A_31)
    %scan3A_32 = arith.constant 0 : i32
    %scan3A_33 = arith.constant 0 : i32
    %scan3A_34 = arith.constant 5 : i32
    %scan3A_35 = arith.addi %scan3A_33, %scan3A_34 : i32
    %scan3A_36 = arith.constant 1 : i32
    scf.for %scan3A_38 = %scan3A_33 to %scan3A_35 step %scan3A_36  : i32 {
      %mul3A_39 = arith.constant 128 : i32
      %mul3A_40 = arith.muli %scan3A_38, %mul3A_39 : i32
      %add3A = arith.addi %mul3A_18, %mul3A_40 : i32
      "tpu.region"() ({
        %run_scoped3A = tpu.sem_alloc : memref<!tpu.dma_semaphore, #tpu.memory_space<semaphore_mem>>
        %dma_start3A_41 = arith.constant 0 : i32
        %dma_start3A_42 = tpu.memref_slice %arg5[%arg0, %add3A, %dma_start3A_41] : memref<2x10240x64xf32, #tpu.memory_space<hbm>> -> memref<1x128x64xf32, #tpu.memory_space<hbm>>
        %dma_start3A_43 = tpu.memref_squeeze %dma_start3A_42 : memref<1x128x64xf32, #tpu.memory_space<hbm>> -> memref<128x64xf32, #tpu.memory_space<hbm>>
        %dma_start3A_44 = arith.constant 0 : i32
        %dma_start3A_45 = tpu.memref_slice %arg11[%add3A, %dma_start3A_44] : memref<10240x64xf32, #tpu.memory_space<vmem_shared>> -> memref<128x64xf32, #tpu.memory_space<vmem_shared>>
        tpu.enqueue_dma source(%dma_start3A_45 : memref<128x64xf32, #tpu.memory_space<vmem_shared>>) target(%dma_start3A_43 : memref<128x64xf32, #tpu.memory_space<hbm>>) target_semaphore(%run_scoped3A : memref<!tpu.dma_semaphore, #tpu.memory_space<semaphore_mem>>)
        %dma_wait3A = arith.constant 0 : i32
        %dma_wait3A_46 = tpu.memref_slice %arg5[%arg0, %add3A, %dma_wait3A] : memref<2x10240x64xf32, #tpu.memory_space<hbm>> -> memref<1x128x64xf32, #tpu.memory_space<hbm>>
        %dma_wait3A_47 = tpu.memref_squeeze %dma_wait3A_46 : memref<1x128x64xf32, #tpu.memory_space<hbm>> -> memref<128x64xf32, #tpu.memory_space<hbm>>
        %dma_wait3A_48 = arith.constant 0 : i32
        %dma_wait3A_49 = tpu.memref_slice %arg11[%add3A, %dma_wait3A_48] : memref<10240x64xf32, #tpu.memory_space<vmem_shared>> -> memref<128x64xf32, #tpu.memory_space<vmem_shared>>
        tpu.wait_dma2 semaphore(%run_scoped3A : memref<!tpu.dma_semaphore, #tpu.memory_space<semaphore_mem>>) src(%dma_wait3A_49 : memref<128x64xf32, #tpu.memory_space<vmem_shared>>) dst(%dma_wait3A_47 : memref<128x64xf32, #tpu.memory_space<hbm>>)
        tpu.yield
      }) : () -> ()
    }
    %scan3A_37 = arith.constant 5 : i32
    return
  }
}

</mosaic_0001>

<sc_bundles>
// kernel: _sc_agg.3.cloned.1.call-start
scs
__scs_entry_jumppad:
0x0: {  	(pc) =	sbr.rel $0x88, $3  }
0x1: {  	(tag) =	ssettag $0x0;
	lr =	simm.s32 $0x1  }
0x2: {  	[smem:$0x3F9E] =	sst lr;
	_ =	strace $0xD0000000  }
0x3: {  	_ = 	snop  }
0x4: {  	_ = 	snop  }
0x5: {  	_ = 	snop  }
0x6: {  	_ = 	snop  }
0x7: {  	_ = 	snop  }
__scs_overlays_trampoline_lowered:
0x8: {  	[smem:$0x3FAD] =	sst s0  }
0x9: {  	[smem:$0x3FAE] =	sst s1  }
0xa: {  	[smem:$0x3FAF] =	sst s2  }
0xb: {  	[smem:$0x3FB0] =	sst s3  }
0xc: {  	[smem:$0x3FB1] =	sst s4  }
0xd: {  	[smem:$0x3FB2] =	sst s5  }
0xe: {  	[smem:$0x3FB3] =	sst s6  }
0xf: {  	[smem:$0x3FB4] =	sst s7  }
0x10: {  	[smem:$0x3FB5] =	sst s8  }
0x11: {  	[smem:$0x3FB6] =	sst s9;
	s0 =	simm.s32 @!p0 $0x0  }
0x12: {  	s1 =	sld [smem:$0x3F9C];
	s0 =	simm.s32 @p0 $0x1  }
0x13: {  	[smem:$0x3FB7] =	sst s0;
	s0 =	simm.s32 @!p1 $0x0  }
0x14: {  	s2 =	sld [smem:$0x3F9B];
	s0 =	simm.s32 @p1 $0x1  }
0x15: {  	[smem:$0x3FB8] =	sst s0;
	s0 =	simm.s32 @!p2 $0x0  }
0x16: {  	s3 =	sld [smem:$0x3FDB];
	s0 =	simm.s32 @p2 $0x1  }
0x17: {  	s4 =	simm.s32 $0x1BF5;
	[smem:$0x3FBA] =	sst s0  }
0x18: {  	s0 =	sld [smem:$0x3F9D];
	_ =	swait.ge [sflag:s4], $0x0  }
0x19: {  	s7 =	sld [smem:$0x3F9E]  }
0x1a: {  	s8 =	sadd.s32 $0xFFFFE003, lr  }
0x1b: {  	s9 =	sadd.s32 $0xFFFFFEF7, lr;
	s5 =	simm.s32 $0xFFFFFFFF;
	p2 =	slt.u32 s8, $0xFFFFF086  }
0x1c: {  	p1 =	slt.u32 s9, $0xF7A;
	s5 =	simm.s32 @!p2 $0x0  }
0x1d: {  	s5 =	simm.s32 @p1 $0x1;
	p0 =	seq.s32 s7, s2  }
0x1e: {  	s7 =	smul.u32 @!p0 $0xF7A, s2;
	p2 =	seq.s32 @!p0 s5, $0x0  }
0x1f: {  	s9 =	smul.u32 $0xF7A, s1;
	s8 =	simm.s32 @!p0 $0x1BF5;
	p2 =	por !p2, p0  }
0x20: {  	[sflag:s8] =	ssyncset.s32 @!p0 $0xFFFFF086;
	s6 =	sadd.s32 @!p0 s3, s7;
	s7 =	simm.s32 @!p0 $0x108  }
0x21: {  	s3 =	sadd.s32 s3, s9;
	s6 =	sadd.s32 @!p0 $0x88, s6;
	s7 =	simm.s32 @p2 $0x1082  }
0x22: {  	[simem:s7], [sflag:s8] =	dma.local @!p0 [hbm:s6], $0xF7A  }
0x23: {  	s9 =	sor.u32 $0xD0000000, s2;
	s6 =	simm.s32 $0x108;
	_ =	swait.ge @!p0 [sflag:s8], $0x0  }
0x24: {  	s3 =	sadd.s32 $0x88, s3;
	s6 =	simm.s32 @!p1 $0x1082;
	[sflag:s4] =	ssyncset.s32 $0xFFFFF086  }
0x25: {  	[simem:s6], [sflag:s4] =	dma.local [hbm:s3], $0xF7A  }
0x26: {  	[smem:$0x3F9E] =	sst s1;
	(tag) =	ssettag s2;
	_ =	strace s9  }
0x27: {  	s1 =	sld [smem:$0x3FAE]  }
0x28: {  	s2 =	sld [smem:$0x3FAF]  }
0x29: {  	s4 =	sld [smem:$0x3FB1]  }
0x2a: {  	p0 =	seq.s32 s5, $0x0;
	s5 =	sld [smem:$0x3FB2]  }
0x2b: {  	s6 =	sld [smem:$0x3FB3]  }
0x2c: {  	s7 =	sld [smem:$0x3FB4]  }
0x2d: {  	s3 =	simm.s32 $0x108;
	s8 =	sld [smem:$0x3FB5]  }
0x2e: {  	s3 =	simm.s32 @!p0 $0x1082;
	s9 =	sld [smem:$0x3FB6]  }
0x2f: {  	lr =	sadd.s32 s0, s3;
	s0 =	sld [smem:$0x3FAD]  }
0x30: {  	s3 =	sld [smem:$0x3FB0]  }
0x31: {  	[smem:$0x3FB9] =	sst s10  }
0x32: {  	s10 =	sld [smem:$0x3FB7];
	_ =	sdelay $0x3  }
0x33: {  	p0 =	seq.s32 s10, $0x1;
	s10 =	sld [smem:$0x3FB9];
	_ =	sdelay $0x3  }
0x34: {  	[smem:$0x3FB9] =	sst s10  }
0x35: {  	s10 =	sld [smem:$0x3FB8];
	_ =	sdelay $0x3  }
0x36: {  	p1 =	seq.s32 s10, $0x1;
	s10 =	sld [smem:$0x3FB9];
	_ =	sdelay $0x3  }
0x37: {  	[smem:$0x3FB9] =	sst s10  }
0x38: {  	s10 =	sld [smem:$0x3FBA]  }
0x39: {  	_ = 	snop;
	(pc) =	sbr.ind lr, $3  }
0x3a: {  	_ = 	snop  }
0x3b: {  	_ = 	snop  }
0x3c: {  	p2 =	seq.s32 s10, $0x1;
	s10 =	sld [smem:$0x3FB9]  }
0x3d: {  	_ =	shalt  }
0x3e: {  	_ =	shalt  }
0x3f: {  	_ =	shalt  }
0x40: {  	_ =	shalt  }
0x41: {  	_ =	shalt  }
0x42: {  	_ =	shalt  }
0x43: {  	_ =	shalt  }
0x44: {  	_ =	shalt  }
0x45: {  	_ =	shalt  }
0x46: {  	_ =	shalt  }
0x47: {  	_ =	shalt  }
0x48: {  	_ =	shalt  }
0x49: {  	_ =	shalt  }
0x4a: {  	_ =	shalt  }
0x4b: {  	_ =	shalt  }
0x4c: {  	_ =	shalt  }
0x4d: {  	_ =	shalt  }
0x4e: {  	_ =	shalt  }
0x4f: {  	_ =	shalt  }
0x50: {  	_ =	shalt  }
0x51: {  	_ =	shalt  }
0x52: {  	_ =	shalt  }
0x53: {  	_ =	shalt  }
0x54: {  	_ =	shalt  }
0x55: {  	_ =	shalt  }
0x56: {  	_ =	shalt  }
0x57: {  	_ =	shalt  }
0x58: {  	_ =	shalt  }
0x59: {  	_ =	shalt  }
0x5a: {  	_ =	shalt  }
0x5b: {  	_ =	shalt  }
0x5c: {  	_ =	shalt  }
0x5d: {  	_ =	shalt  }
0x5e: {  	_ =	shalt  }
0x5f: {  	_ =	shalt  }
0x60: {  	_ =	shalt  }
0x61: {  	_ =	shalt  }
0x62: {  	_ =	shalt  }
0x63: {  	_ =	shalt  }
0x64: {  	_ =	shalt  }
0x65: {  	_ =	shalt  }
0x66: {  	_ =	shalt  }
0x67: {  	_ =	shalt  }
0x68: {  	_ =	shalt  }
0x69: {  	_ =	shalt  }
0x6a: {  	_ =	shalt  }
0x6b: {  	_ =	shalt  }
0x6c: {  	_ =	shalt  }
0x6d: {  	_ =	shalt  }
0x6e: {  	_ =	shalt  }
0x6f: {  	_ =	shalt  }
0x70: {  	_ =	shalt  }
0x71: {  	_ =	shalt  }
0x72: {  	_ =	shalt  }
0x73: {  	_ =	shalt  }
0x74: {  	_ =	shalt  }
0x75: {  	_ =	shalt  }
0x76: {  	_ =	shalt  }
0x77: {  	_ =	shalt  }
0x78: {  	_ =	shalt  }
0x79: {  	_ =	shalt  }
0x7a: {  	_ =	shalt  }
0x7b: {  	_ =	shalt  }
0x7c: {  	_ =	shalt  }
0x7d: {  	_ =	shalt  }
0x7e: {  	_ =	shalt  }
0x7f: {  	_ =	shalt  }
0x80: {  	_ =	shalt  }
0x81: {  	_ =	shalt  }
0x82: {  	_ =	shalt  }
0x83: {  	_ =	shalt  }
0x84: {  	_ =	shalt  }
0x85: {  	_ =	shalt  }
0x86: {  	_ =	shalt  }
0x87: {  	_ =	shalt  }
.Lfunc_end0:
.L_simem_size_0:
called_computation_lowered:
.L_overlay_start_0:
0x88: {  	s2 =	sld [smem:$0x3FD9]  }
0x89: {  	s3 =	sld [smem:$0x3FFE];
	_ =	sdelay $0x1  }
0x8a: {  	s1 =	srdreg.scid  }
0x8b: {  	s0 =	sand.u32 $0x1, s1  }
0x8c: {  	s17 =	sshll.u32 s0, $0xA;
	s2 =	sadd.s32 s3, s2  }
0x8d: {  	s2 =	sadd.s32 s2, s17  }
0x8e: {  	[smem:$0x3FC5] =	sst s2  }
0x8f: {  	_ = 	snop  }
0x90: {  	s2 =	sld [smem:$0x3FD0];
	(tm) =	ssettm $0x1  }
0x91: {  	s18 =	sld [smem:$0x3FFB];
	_ =	sdelay $0x3  }
0x92: {  	_ =	strace s18  }
0x93: {  	s3 =	sld [smem:$0x3FFC];
	_ =	sdelay $0x3  }
0x94: {  	_ =	strace s3  }
0x95: {  	s3 =	sld [smem:$0x3FFD];
	_ =	sdelay $0x3  }
0x96: {  	_ =	strace s3  }
0x97: {  	_ =	strace $0x8FFFFFFF  }
0x98: {  	s19 =	sld [smem:$0x3FDB];
	_ =	sdelay $0x1  }
0x99: {  	s4 =	simm.s32 $_scs_section_size  }
0x9a: {  	s5 =	simm.s32 $_size__tile_overlayer_lowered;
	s6 =	simm.s32 $_tile_overlayer_lowered  }
0x9b: {  	s22 =	simm.s32 $0x1BFF;
	s21 =	sshll.u32 s6, $0x1;
	s3 =	sadd.s32 s4, s19  }
0x9c: {  	s7 =	simm.s32 $0x0;
	s20 =	sshll.u32 s5, $0x1;
	s5 =	sadd.s32 s21, s3  }
0x9d: {  	[timem:s7], [sflag:s22] =	dma.local [hbm:s5], s20  }
0x9e: {  	_ =	swait.ge [sflag:s22], s20  }
0x9f: {  	s4 =	ssub.s32 $0x0, s20;
	[sflag:s22] =	ssyncset.done $0x0  }
0xa0: {  	[sflag:s22] =	ssyncadd.s32 s4;
	_ =	sdelay $0x1  }
0xa1: {  	s23 =	simm.s32 $0x1B8B  }
0xa2: {  	_ =	swait.ge [sflag:s23], $0x1  }
0xa3: {  	[sflag:s23] =	ssyncset.done $0x0  }
0xa4: {  	s25 =	simm.s32 $0x1B8E;
	s24 =	sld [smem:$0x3FFE];
	[sflag:s23] =	ssyncadd.s32 $0xFFFFFFFF  }
0xa5: {  	s26 =	simm.s32 $execute0_lowered;
	[smem:$0x3FD2] =	sst s25  }
0xa6: {  	s5 =	sshll.u32 s26, $0x1;
	_ =	strace $0x80000046;
	[dreg:$0x1] =	wrdreg $0xFFFFFFFF  }
0xa7: {  	s28 =	simm.s32 $_size_execute0_lowered;
	s3 =	sadd.s32 s3, s5;
	[dreg:$0x0] =	wrdreg $0x0  }
0xa8: {  	s5 =	sshll.u32 s28, $0x1;
	[dreg:$0x2] =	wrdreg s3  }
0xa9: {  	[dreg:$0x3] =	wrdreg s5  }
0xaa: {  	[dreg:$0x4] =	wrdreg $0xC0  }
0xab: {  	_ =	task [dreg:s7], $0x5FFFF  }
0xac: {  	[dreg:$0x1] =	wrdreg $0xFFFFFFFF  }
0xad: {  	[dreg:$0x0] =	wrdreg $0x60  }
0xae: {  	[dreg:$0x2] =	wrdreg s24  }
0xaf: {  	[dreg:$0x3] =	wrdreg s2  }
0xb0: {  	[dreg:$0x4] =	wrdreg $0x114000  }
0xb1: {  	[dreg:$0x5] =	wrdreg $0x9  }
0xb2: {  	_ =	task.clear_ibuf [dreg:s7], $0x6FFFF;
	_ =	strace $0x90000046  }
0xb3: {  	s29 =	simm.s32 $0x9;
	_ =	strace $0x80000048  }
0xb4: {  	_ =	swait.ge [sflag:s29], $0x1  }
0xb5: {  	[sflag:s29] =	ssyncadd.s32 $0xFFFFFFFF  }
0xb6: {  	_ =	strace $0x90000048  }
0xb7: {  	_ =	sfence  }
0xb8: {  	s30 =	sld [smem:$0x0];
	_ =	sdelay $0x2  }
0xb9: {  	s31 =	sshll.u32 s1, $0xD;
	s1 =	sshrl.u32 s1, $0x2  }
0xba: {  	s3 =	sand.u32 $0x4000, s31;
	s1 =	sadd.s32 s1, s30  }
0xbb: {  	s0 =	sor.u32 s3, s0;
	s1 =	sshll.u32 s1, $0x11  }
0xbc: {  	s0 =	sor.u32 s1, s0  }
0xbd: {  	s0 =	sadd.s32 $0x8F2B, s0  }
0xbe: {  	[sflag:s0] =	ssyncadd.remote.s32 $0x1  }
0xbf: {  	_ =	sfence.sel $0xFFFF  }
0xc0: {  	[dreg:$0x0] =	wrdreg $0xFFFFFFFF;
	(pc) =	sbr.abs _section_cstart, $3  }
0xc1: {  	[dreg:$0x1] =	wrdreg $0xFFFFFFFF  }
0xc2: {  	_ =	task.clear_ibuf [dreg:s7], $0x2FFFF;
	_ =	strace $0x9FFFFFFF  }
0xc3: {  	(tm) =	ssettm $0x7FFFFFFF  }
tec
execute0_lowered:
.L_overlay_start_1:
0x0: {  	(tag) =	ssettag $0x1  }
0x1: {  	s0 =	rddreg [dreg:$0x0]  }
0x2: {  	s2 =	rddreg [dreg:$0x1]  }
0x3: {  	s1 =	rddreg [dreg:$0x2];
	s8 =	stileid.u32  }
0x4: {  	s3 =	srdreg.scid;
	s28 =	simm.s32 $0x9400;
	s7 =	smul.u32 $0x2A00, s8  }
0x5: {  	s29 =	simm.s32 $0xD400;
	s30 =	simm.s32 $0x1;
	s17 =	smul.u32 $0xA000, s8  }
0x6: {  	s31 =	simm.s32 $0x2;
	s5 =	sand.u32 $0x1, s3;
	s8 =	smul.u32 $0x28000, s8  }
0x7: {  	s3 =	simm.s32 $0x0;
	s4 =	sadd.s32 $0x15800, s0;
	s6 =	smul.u32 $0x2A000, s5  }
0x8: {  	[smem:$0x7FF] =	sst s3;
	s16 =	smul.u32 $0xA0000, s5;
	s5 =	ssub.s32 $0x2, s5  }
0x9: {  	_ =	strace $0x80000047;
	s14 =	sshrl.u32 s5, $0x1;
	s19 =	sshrl.u32 s8, $0x2  }
0xa: {  	s21 =	sadd.s32 $0x2000, s17;
	s6 =	sadd.s32 s7, s6;
	s5 =	ssub.s32 s5, s14  }
0xb: {  	s15 =	sadd.s32 s16, s17;
	s7 =	sadd.s32 s19, s1;
	s22 =	sadd.s32 s16, s21  }
0xc: {  	s19 =	sadd.s32 s17, s1;
	s6 =	sshrl.u32 s6, $0x3;
	s20 =	sshrl.u32 s15, $0x3  }
0xd: {  	s9 =	smax.u32 s5, $0x1;
	s10 =	sadd.s32 $0x2000, s7;
	s11 =	sadd.s32 $0x4000, s7  }
0xe: {  	s12 =	sadd.s32 $0x6000, s7;
	s13 =	sadd.s32 $0x8000, s7;
	s5 =	sshrl.u32 s22, $0x3  }
0xf: {  	s0 =	sadd.s32 s6, s0;
	s8 =	sadd.s32 s2, s20;
	s14 =	sadd.s32 s2, s5  }
0x10: {  	s20 =	sadd.s32 $0x6000, s17;
	s18 =	sadd.s32 $0x800, s0;
	s0 =	sadd.s32 $0xB000, s0  }
0x11: {  	s24 =	sadd.s32 s16, s20;
	s25 =	sadd.s32 s20, s1;
	[dreg:$0x4] =	wrdreg s18  }
0x12: {  	s20 =	simm.s32 $0x100;
	[dreg:$0x5] =	wrdreg s0;
	s18 =	sadd.s32 $0x4000, s17  }
0x13: {  	s0 =	sadd.s32 s21, s1;
	s21 =	sadd.s32 $0x8000, s17;
	s23 =	sadd.s32 s16, s18  }
0x14: {  	s17 =	sadd.s32 s16, s21;
	s26 =	sadd.s32 s21, s1;
	s21 =	sshrl.u32 s19, $0x3  }
0x15: {  	s22 =	sshrl.u32 s0, $0x3;
	s0 =	simm.s32 $0x3;
	s5 =	sshrl.u32 s23, $0x3  }
0x16: {  	s23 =	sadd.s32 s18, s1;
	s17 =	sshrl.u32 s17, $0x3;
	s18 =	simm.s32 $0x4  }
0x17: {  	s15 =	sadd.s32 s2, s5;
	s5 =	sshrl.u32 s24, $0x3;
	s17 =	sadd.s32 s2, s17  }
0x18: {  	s23 =	sshrl.u32 s23, $0x3;
	s24 =	sshrl.u32 s25, $0x3;
	s25 =	sshrl.u32 s26, $0x3  }
0x19: {  	v0 =	vimm.f32 $0.0e+00;
	s26 =	simm.s32 $0x5400;
	s16 =	sadd.s32 s2, s5;
	s2 =	simm.s32 $0x0  }
.LBB2_1:
0x1a: {  	s5 =	rddreg [dreg:$0x4]  }
0x1b: {  	[tilespmem:s3], [sflag:$0x4] =	stream.linear.gather [hbm4b:s5+s3], $0x2A00, $0x38;
	[tilespmem:$0x1B400] =	vst v63  }
0x1c: {  	_ =	swait.ge [sflag:s18], $0x2A00  }
0x1d: {  	[sflag:s18] =	ssyncset.done $0x0  }
0x1e: {  	s6 =	simm.s32 $0x2A00;
	s19 =	rddreg [dreg:$0x5];
	[sflag:s18] =	ssyncadd.s32 $0xFFFFD600  }
0x1f: {  	[tilespmem:s6], [sflag:$0x4] =	stream.linear.gather [hbm4b:s19+s3], $0x2A00, $0x38;
	[tilespmem:$0x1B400] =	vst v63  }
0x20: {  	_ =	swait.ge [sflag:s18], $0x2A00  }
0x21: {  	[sflag:s18] =	ssyncset.done $0x0  }
0x22: {  	[sflag:s18] =	ssyncadd.s32 $0xFFFFD600  }
0x23: {  	[tilespmem:s26], [sflag:$0x1] =	stream.indirect.gather [hbm4b:s4+s20], $0x40, s3, s20, $0xb8;
	[tilespmem:$0x1B400] =	vst v63  }
0x24: {  	s5 =	simm.s32 $0x100;
	s19 =	simm.s32 $0x0  }
0x25: {  	[tilespmem:s28], [sflag:$0x2] =	stream.indirect.gather [hbm4b:s4+s20], $0x40, s20, s20, $0xb8;
	[tilespmem:$0x1B400] =	vst v63  }
.LBB2_2:
0x26: {  	p0 =	sne.s32 s5, $0x7F00;
	[tilespmem:s19+$0xD430] =	vst v0;
	s6 =	smov.u32 s5;
	s5 =	sadd.s32 $0x100, s5  }
.Ltmp0:
0x27: {  	[tilespmem:s19+$0xD420] =	vst v0;
	(pc) =	sbr.rel @p0 .LBB2_2-.Ltmp0, $3  }
0x28: {  	[tilespmem:s19+$0xD400] =	vst v0  }
0x29: {  	[tilespmem:s19+$0xD410] =	vst v0;
	_ =	sdelay $0x1  }
0x2a: {  	s19 =	sshra.s32 s6, $0x2  }
0x2b: {  	[tilespmem:s19+$0xD430] =	vst v0  }
0x2c: {  	[tilespmem:s19+$0xD420] =	vst v0  }
0x2d: {  	[tilespmem:s19+$0xD400] =	vst v0  }
0x2e: {  	[tilespmem:s19+$0xD410] =	vst v0  }
0x2f: {  	[spmem:s7] =	stream.linear.scatter [tilespmem:s29], [sflag:$0x4], $0x2000, $0x38;
	[tilespmem:$0x1B400] =	vst v63  }
0x30: {  	_ =	swait.ge [sflag:s18], $0x2000  }
0x31: {  	[sflag:s18] =	ssyncset.done $0x0  }
0x32: {  	[sflag:s18] =	ssyncadd.s32 $0xFFFFE000  }
0x33: {  	[spmem:s10] =	stream.linear.scatter [tilespmem:s29], [sflag:$0x4], $0x2000, $0x38;
	[tilespmem:$0x1B400] =	vst v63  }
0x34: {  	_ =	swait.ge [sflag:s18], $0x2000  }
0x35: {  	[sflag:s18] =	ssyncset.done $0x0  }
0x36: {  	[sflag:s18] =	ssyncadd.s32 $0xFFFFE000  }
0x37: {  	[spmem:s11] =	stream.linear.scatter [tilespmem:s29], [sflag:$0x4], $0x2000, $0x38;
	[tilespmem:$0x1B400] =	vst v63  }
0x38: {  	_ =	swait.ge [sflag:s18], $0x2000  }
0x39: {  	[sflag:s18] =	ssyncset.done $0x0  }
0x3a: {  	[sflag:s18] =	ssyncadd.s32 $0xFFFFE000  }
0x3b: {  	[spmem:s12] =	stream.linear.scatter [tilespmem:s29], [sflag:$0x4], $0x2000, $0x38;
	[tilespmem:$0x1B400] =	vst v63  }
0x3c: {  	_ =	swait.ge [sflag:s18], $0x2000  }
0x3d: {  	[sflag:s18] =	ssyncset.done $0x0  }
0x3e: {  	[sflag:s18] =	ssyncadd.s32 $0xFFFFE000  }
0x3f: {  	[spmem:s13] =	stream.linear.scatter [tilespmem:s29], [sflag:$0x4], $0x2000, $0x38;
	[tilespmem:$0x1B400] =	vst v63  }
0x40: {  	_ =	swait.ge [sflag:s18], $0x2000  }
0x41: {  	[sflag:s18] =	ssyncset.done $0x0  }
0x42: {  	[sflag:s18] =	ssyncadd.s32 $0xFFFFE000  }
0x43: {  	[bflag:$0x0] =	sbarrier.arrive $0xFFFF  }
0x44: {  	_ =	swait.ge [sflag:s30], $0x4000  }
0x45: {  	[sflag:s30] =	ssyncset.done $0x0  }
0x46: {  	s5 =	simm.s32 $0x200;
	[sflag:s30] =	ssyncadd.s32 $0xFFFFC000  }
0x47: {  	[tilespmem:s29], [sflag:$0x3] =	stream.indirect.gather [hbm4b:s4+s20], $0x40, s5, s20, $0xb8;
	[tilespmem:$0x1B400] =	vst v63  }
0x48: {  	s19 =	simm.s32 $0x2A00  }
0x49: {  	[spmem:s1] =	stream.indirect.scatter.add.f32 [tilespmem:s26], [sflag:$0x4], $0x40, s19, s20, $0xb8;
	[tilespmem:$0x1B400] =	vst v63  }
0x4a: {  	_ =	swait.ge [sflag:s18], $0x4000  }
0x4b: {  	[sflag:s18] =	ssyncset.done $0x0  }
0x4c: {  	[sflag:s18] =	ssyncadd.s32 $0xFFFFC000  }
0x4d: {  	_ =	swait.ge [sflag:s31], $0x4000  }
0x4e: {  	[sflag:s31] =	ssyncset.done $0x0  }
0x4f: {  	s6 =	simm.s32 $0x300;
	[sflag:s31] =	ssyncadd.s32 $0xFFFFC000  }
0x50: {  	[tilespmem:s26], [sflag:$0x1] =	stream.indirect.gather [hbm4b:s4+s20], $0x40, s6, s20, $0xb8;
	[tilespmem:$0x1B400] =	vst v63  }
0x51: {  	s19 =	simm.s32 $0x2B00  }
0x52: {  	[spmem:s1] =	stream.indirect.scatter.add.f32 [tilespmem:s28], [sflag:$0x4], $0x40, s19, s20, $0xb8;
	[tilespmem:$0x1B400] =	vst v63  }
0x53: {  	_ =	swait.ge [sflag:s18], $0x4000  }
0x54: {  	[sflag:s18] =	ssyncset.done $0x0  }
0x55: {  	[sflag:s18] =	ssyncadd.s32 $0xFFFFC000  }
0x56: {  	_ =	swait.ge [sflag:s0], $0x4000  }
0x57: {  	[sflag:s0] =	ssyncset.done $0x0  }
0x58: {  	s6 =	simm.s32 $0x400;
	[sflag:s0] =	ssyncadd.s32 $0xFFFFC000  }
0x59: {  	[tilespmem:s28], [sflag:$0x2] =	stream.indirect.gather [hbm4b:s4+s20], $0x40, s6, s20, $0xb8;
	[tilespmem:$0x1B400] =	vst v63  }
0x5a: {  	s19 =	simm.s32 $0x2C00  }
0x5b: {  	[spmem:s1] =	stream.indirect.scatter.add.f32 [tilespmem:s29], [sflag:$0x4], $0x40, s19, s20, $0xb8;
	[tilespmem:$0x1B400] =	vst v63  }
0x5c: {  	_ =	swait.ge [sflag:s18], $0x4000  }
0x5d: {  	s19 =	simm.s32 $0xC00;
	[sflag:s18] =	ssyncset.done $0x0  }
.LBB2_4:
0x5e: {  	p0 =	sne.s32 s19, $0x9000  }
0x5f: {  	[sflag:s18] =	ssyncadd.s32 $0xFFFFC000;
	s5 =	smov.u32 s19;
	s19 =	sadd.s32 $0xC00, s19  }
0x60: {  	_ = 	snop  }
0x61: {  	_ =	swait.ge [sflag:s30], $0x4000  }
0x62: {  	s5 =	sshra.s32 s5, $0x2;
	[sflag:s30] =	ssyncset.done $0x0  }
0x63: {  	s6 =	sadd.s32 $0x200, s5;
	[sflag:s30] =	ssyncadd.s32 $0xFFFFC000  }
0x64: {  	[tilespmem:s29], [sflag:$0x3] =	stream.indirect.gather [hbm4b:s4+s20], $0x40, s6, s20, $0xb8;
	[tilespmem:$0x1B400] =	vst v63  }
0x65: {  	s6 =	sadd.s32 $0x2A00, s5  }
0x66: {  	[spmem:s1] =	stream.indirect.scatter.add.f32 [tilespmem:s26], [sflag:$0x4], $0x40, s6, s20, $0xb8;
	[tilespmem:$0x1B400] =	vst v63  }
0x67: {  	_ =	swait.ge [sflag:s18], $0x4000  }
0x68: {  	[sflag:s18] =	ssyncset.done $0x0  }
0x69: {  	[sflag:s18] =	ssyncadd.s32 $0xFFFFC000  }
0x6a: {  	_ =	swait.ge [sflag:s31], $0x4000  }
0x6b: {  	[sflag:s31] =	ssyncset.done $0x0  }
0x6c: {  	s6 =	sadd.s32 $0x300, s5;
	[sflag:s31] =	ssyncadd.s32 $0xFFFFC000  }
0x6d: {  	[tilespmem:s26], [sflag:$0x1] =	stream.indirect.gather [hbm4b:s4+s20], $0x40, s6, s20, $0xb8;
	[tilespmem:$0x1B400] =	vst v63  }
0x6e: {  	s6 =	sadd.s32 $0x2B00, s5  }
0x6f: {  	[spmem:s1] =	stream.indirect.scatter.add.f32 [tilespmem:s28], [sflag:$0x4], $0x40, s6, s20, $0xb8;
	[tilespmem:$0x1B400] =	vst v63  }
0x70: {  	_ =	swait.ge [sflag:s18], $0x4000  }
0x71: {  	[sflag:s18] =	ssyncset.done $0x0  }
0x72: {  	[sflag:s18] =	ssyncadd.s32 $0xFFFFC000  }
0x73: {  	_ =	swait.ge [sflag:s0], $0x4000  }
0x74: {  	[sflag:s0] =	ssyncset.done $0x0  }
0x75: {  	s6 =	sadd.s32 $0x400, s5;
	[sflag:s0] =	ssyncadd.s32 $0xFFFFC000  }
0x76: {  	[tilespmem:s28], [sflag:$0x2] =	stream.indirect.gather [hbm4b:s4+s20], $0x40, s6, s20, $0xb8;
	[tilespmem:$0x1B400] =	vst v63  }
.Ltmp1:
0x77: {  	_ = 	snop;
	(pc) =	sbr.rel @p0 .LBB2_4-.Ltmp1, $4  }
0x78: {  	s5 =	sadd.s32 $0x2C00, s5  }
0x79: {  	[spmem:s1] =	stream.indirect.scatter.add.f32 [tilespmem:s29], [sflag:$0x4], $0x40, s5, s20, $0xb8;
	[tilespmem:$0x1B400] =	vst v63  }
0x7a: {  	_ =	swait.ge [sflag:s18], $0x4000  }
0x7b: {  	[sflag:s18] =	ssyncset.done $0x0  }
0x7c: {  	[sflag:s18] =	ssyncadd.s32 $0xFFFFC000  }
0x7d: {  	_ =	swait.ge [sflag:s30], $0x4000  }
0x7e: {  	[sflag:s30] =	ssyncset.done $0x0  }
0x7f: {  	s5 =	simm.s32 $0x2900;
	[sflag:s30] =	ssyncadd.s32 $0xFFFFC000  }
0x80: {  	[tilespmem:s29], [sflag:$0x3] =	stream.indirect.gather [hbm4b:s4+s20], $0x40, s5, s20, $0xb8;
	[tilespmem:$0x1B400] =	vst v63  }
0x81: {  	s6 =	simm.s32 $0x5100  }
0x82: {  	[spmem:s1] =	stream.indirect.scatter.add.f32 [tilespmem:s26], [sflag:$0x4], $0x40, s6, s20, $0xb8;
	[tilespmem:$0x1B400] =	vst v63  }
0x83: {  	_ =	swait.ge [sflag:s18], $0x4000  }
0x84: {  	[sflag:s18] =	ssyncset.done $0x0  }
0x85: {  	[sflag:s18] =	ssyncadd.s32 $0xFFFFC000  }
0x86: {  	_ =	swait.ge [sflag:s31], $0x4000  }
0x87: {  	[sflag:s31] =	ssyncset.done $0x0  }
0x88: {  	s19 =	simm.s32 $0x5200;
	[sflag:s31] =	ssyncadd.s32 $0xFFFFC000  }
0x89: {  	[spmem:s1] =	stream.indirect.scatter.add.f32 [tilespmem:s28], [sflag:$0x4], $0x40, s19, s20, $0xb8;
	[tilespmem:$0x1B400] =	vst v63  }
0x8a: {  	_ =	swait.ge [sflag:s18], $0x4000  }
0x8b: {  	[sflag:s18] =	ssyncset.done $0x0  }
0x8c: {  	[sflag:s18] =	ssyncadd.s32 $0xFFFFC000  }
0x8d: {  	_ =	swait.ge [sflag:s0], $0x4000  }
0x8e: {  	[sflag:s0] =	ssyncset.done $0x0  }
0x8f: {  	s6 =	simm.s32 $0x5300;
	[sflag:s0] =	ssyncadd.s32 $0xFFFFC000  }
0x90: {  	[spmem:s1] =	stream.indirect.scatter.add.f32 [tilespmem:s29], [sflag:$0x4], $0x40, s6, s20, $0xb8;
	[tilespmem:$0x1B400] =	vst v63  }
0x91: {  	_ =	swait.ge [sflag:s18], $0x4000  }
0x92: {  	s19 =	stileid.u32;
	[sflag:s18] =	ssyncset.done $0x0  }
0x93: {  	s5 =	sshll.u32 s19, $0x6;
	[sflag:s18] =	ssyncadd.s32 $0xFFFFC000  }
0x94: {  	s5 =	sor.u32 $0x1C04, s5;
	[bflag:$0x0] =	sbarrier.arrive $0xFFFF  }
0x95: {  	[hbm:s8], [sflag:s5] =	dma.local [spmem:s21], $0x400  }
0x96: {  	_ =	swait.ge [sflag:s18], $0x400  }
0x97: {  	[sflag:s18] =	ssyncset.done $0x0  }
0x98: {  	[sflag:s18] =	ssyncadd.s32 $0xFFFFFC00  }
0x99: {  	[hbm:s14], [sflag:s5] =	dma.local [spmem:s22], $0x400  }
0x9a: {  	_ =	swait.ge [sflag:s18], $0x400  }
0x9b: {  	[sflag:s18] =	ssyncset.done $0x0  }
0x9c: {  	[sflag:s18] =	ssyncadd.s32 $0xFFFFFC00  }
0x9d: {  	[hbm:s15], [sflag:s5] =	dma.local [spmem:s23], $0x400  }
0x9e: {  	_ =	swait.ge [sflag:s18], $0x400  }
0x9f: {  	[sflag:s18] =	ssyncset.done $0x0  }
0xa0: {  	[sflag:s18] =	ssyncadd.s32 $0xFFFFFC00  }
0xa1: {  	[hbm:s16], [sflag:s5] =	dma.local [spmem:s24], $0x400  }
0xa2: {  	s2 =	sadd.s32 $0x1, s2;
	_ =	swait.ge [sflag:s18], $0x400  }
0xa3: {  	p0 =	sne.s32 s2, s9;
	[sflag:s18] =	ssyncset.done $0x0  }
.Ltmp2:
0xa4: {  	[sflag:s18] =	ssyncadd.s32 $0xFFFFFC00;
	(pc) =	sbr.rel @p0 .LBB2_1-.Ltmp2, $4  }
0xa5: {  	[hbm:s17], [sflag:s5] =	dma.local [spmem:s25], $0x400  }
0xa6: {  	_ =	swait.ge [sflag:s18], $0x400  }
0xa7: {  	[sflag:s18] =	ssyncset.done $0x0  }
0xa8: {  	[sflag:s18] =	ssyncadd.s32 $0xFFFFFC00  }
0xa9: {  	_ =	sfence.sel $0x180000  }
0xaa: {  	[bflag:$0x0] =	sbarrier.arrive $0xFFFF  }
0xab: {  	_ =	strace $0x90000047  }
0xac: {  	s0 =	stileid.u32;
	[bflag:$0x2] =	sbarrier.arrive $0xFFFF  }
0xad: {  	p0 =	sne.s32 s0, $0x0;
	s0 =	rddreg [dreg:$0x3]  }
0xae: {  	s0 =	sadd.s32 @!p0 $0x100000, s0  }
0xaf: {  	[sflag:s0] =	ssyncadd.tile.s32 @!p0 $0x1;
	_ =	shalt  }
.Lfunc_end2:
_tile_overlayer_lowered:
.L_overlay_start_2:
0xb0: {  	(tag) =	ssettag $0x2  }
0xb1: {  	s0 =	rddreg [dreg:$0x0];
	s2 =	stileid.u32  }
0xb2: {  	s1 =	rddreg [dreg:$0x1];
	p0 =	sne.s32 s2, $0x0  }
0xb3: {  	s3 =	rddreg [dreg:$0x2];
	[bflag:$0x3] =	sbarrier.arrive $0xFFFF;
	s2 =	simm.s32 @!p0 $0x1C04  }
0xb4: {  	[timem:s3], [sflag:s2] =	dma.local @!p0 [hbm:s0], s1  }
0xb5: {  	s0 =	simm.s32 @!p0 $0x4  }
0xb6: {  	_ =	swait.ge @!p0 [sflag:s0], s1  }
0xb7: {  	s1 =	ssub.s32 @!p0 $0x0, s1;
	[sflag:s0] =	ssyncset.done @!p0 $0x0  }
0xb8: {  	[sflag:s0] =	ssyncadd.s32 @!p0 s1  }
0xb9: {  	[bflag:$0x3] =	sbarrier.arrive $0xFFFF  }
0xba: {  	_ =	shalt  }

</sc_bundles>
